<compile_context>
chip_gen: v7x
topology: tpu7x:2x2x1
jax: 0.10.2.dev20260603
libtpu: 0.0.44.dev20260713+nightly
codegen_flags: <defaults>
</compile_context>

<pallas_src>
import functools

import jax
import jax.numpy as jnp
import numpy as np
from jax import lax
from jax.experimental import pallas as pl
from jax.experimental.pallas import tpu as pltpu
from jax.experimental.pallas import tpu_sc as plsc

B, N, C, DEPTH, K, H = 2, 4096, 128, 2, 16, 2
OUT_C = 128
BN = B * N
M = BN * K
P3 = 16
PG = 128



@functools.partial(jax.jit, static_argnames=("d",))
def _sc_gather(table, idx, d):
  nc = 2
  ns = 16
  nw = nc * ns
  m_per_w = M // nw
  ch = 128
  n_ch = m_per_w // ch

  mesh = plsc.VectorSubcoreMesh(core_axis_name="c", subcore_axis_name="s")

  @functools.partial(
      pl.kernel,
      out_type=jax.ShapeDtypeStruct((M, d), jnp.float32),
      mesh=mesh,
      scratch_types=[
          pltpu.VMEM((ch,), jnp.int32),
          pltpu.VMEM((ch, d), jnp.float32),
          pltpu.VMEM((ch,), jnp.int32),
          pltpu.VMEM((ch, d), jnp.float32),
          pltpu.SemaphoreType.DMA,
          pltpu.SemaphoreType.DMA,
      ],
  )
  def gather_k(table_hbm, idx_hbm, out_hbm, idx_a, rows_a, idx_b, rows_b,
               sem_a, sem_b):
    wid = lax.axis_index("s") * nc + lax.axis_index("c")
    base = wid * m_per_w

    def chunk(i, idx_v, rows_v, sem):
      off = base + i * ch
      pltpu.sync_copy(idx_hbm.at[pl.ds(off, ch)], idx_v)
      pltpu.async_copy(table_hbm.at[idx_v], rows_v, sem).wait()
      pltpu.sync_copy(rows_v, out_hbm.at[pl.ds(off, ch)])

    def body(i, _):
      chunk(2 * i, idx_a, rows_a, sem_a)
      chunk(2 * i + 1, idx_b, rows_b, sem_b)
      return 0

    lax.fori_loop(0, n_ch // 2, body, 0)

  return gather_k(table, idx)



_LT = 512


def _linear_tc(x, w, b):
  rows, cin = x.shape
  cout = w.shape[1]

  def body(x_ref, w_ref, b_ref, o_ref):
    o_ref[:] = jnp.dot(x_ref[:], w_ref[:],
                       preferred_element_type=jnp.float32) + b_ref[:]

  return pl.pallas_call(
      body,
      grid=(rows // _LT,),
      in_specs=[
          pl.BlockSpec((_LT, cin), lambda i: (i, 0)),
          pl.BlockSpec((cin, cout), lambda i: (0, 0)),
          pl.BlockSpec((1, cout), lambda i: (0, 0)),
      ],
      out_specs=pl.BlockSpec((_LT, cout), lambda i: (i, 0)),
      out_shape=jax.ShapeDtypeStruct((rows, cout), jnp.float32),
  )(x, w, b)



_T = 128


def _ln(h, g, b):
  m = jnp.mean(h, axis=-1, keepdims=True)
  v = jnp.mean((h - m) * (h - m), axis=-1, keepdims=True)
  return (h - m) * lax.rsqrt(v + 1e-5) * g + b


def _layer_body(x_ref, pos_ref, kvnb_ref, posnb_ref,
                wq_ref, bq_ref, wp1_ref, bp1_ref, wp2_ref, bp2_ref,
                wa1_ref, ba1_ref, wa2_ref, ba2_ref, wo_ref, bo_ref,
                wf1_ref, bf1_ref, g1_ref, be1_ref,
                wf2_ref, bf2_ref, g2_ref, be2_ref,
                o_ref):
  f32 = jnp.float32
  x = x_ref[:]
  q = jnp.dot(x, wq_ref[:], preferred_element_type=f32) + bq_ref[:]
  kv = kvnb_ref[:]
  k = kv[:, :C]
  v = kv[:, C:]

  pnb = posnb_ref[:, :P3]
  pd = pos_ref[:].reshape(_T, 1, P3) - pnb.reshape(_T, K, P3)
  pd = pd.reshape(_T * K, P3)
  h1 = jnp.maximum(
      jnp.dot(pd, wp1_ref[:], preferred_element_type=f32) + bp1_ref[:], 0.0)
  pe = jnp.dot(h1, wp2_ref[:], preferred_element_type=f32) + bp2_ref[:]

  qb = jnp.broadcast_to(q.reshape(_T, 1, C), (_T, K, C)).reshape(_T * K, C)
  rel = k - qb + pe
  a1 = jnp.maximum(
      jnp.dot(rel, wa1_ref[:], preferred_element_type=f32) + ba1_ref[:], 0.0)
  a = jnp.dot(a1, wa2_ref[:], preferred_element_type=f32) + ba2_ref[:]

  a3 = a.reshape(_T, K, C)
  mx = jnp.max(a3, axis=1, keepdims=True)
  e = jnp.exp(a3 - mx)
  s = jnp.sum(e, axis=1, keepdims=True)
  w = e / s
  agg = jnp.sum(w * (v.reshape(_T, K, C) + pe.reshape(_T, K, C)), axis=1)

  y = x + jnp.dot(agg, wo_ref[:], preferred_element_type=f32) + bo_ref[:]

  h = jnp.dot(y, wf1_ref[:], preferred_element_type=f32) + bf1_ref[:]
  h = _ln(h, g1_ref[:], be1_ref[:])
  h = 0.5 * h * (1.0 + lax.erf(h * np.float32(1.0 / np.sqrt(2.0))))
  h2 = jnp.dot(h, wf2_ref[:], preferred_element_type=f32) + bf2_ref[:]
  h2 = _ln(h2, g2_ref[:], be2_ref[:])
  o_ref[:] = y + h2


def _layer_tc(x, pos_pad, kvnb, posnb, wts):
  full = lambda r, c: pl.BlockSpec((r, c), lambda i: (0, 0))
  in_specs = [
      pl.BlockSpec((_T, C), lambda i: (i, 0)),
      pl.BlockSpec((_T, P3), lambda i: (i, 0)),
      pl.BlockSpec((_T * K, 2 * C), lambda i: (i, 0)),
      pl.BlockSpec((_T * K, PG), lambda i: (i, 0)),
  ]
  for a in wts:
    in_specs.append(full(a.shape[0], a.shape[1]))
  return pl.pallas_call(
      _layer_body,
      grid=(BN // _T,),
      in_specs=in_specs,
      out_specs=pl.BlockSpec((_T, C), lambda i: (i, 0)),
      out_shape=jax.ShapeDtypeStruct((BN, C), jnp.float32),
  )(x, pos_pad, kvnb, posnb, *wts)




def _knn_idx(pos):
  sq = jnp.sum(pos * pos, axis=-1)
  d2 = (sq[:, :, None] - 2.0 * jnp.einsum("bnd,bmd->bnm", pos, pos)
        + sq[:, None, :])
  _, idx = lax.top_k(-d2, K)
  return idx


def _pad_cols(a, cols):
  return jnp.pad(a, ((0, 0), (0, cols - a.shape[1])))


def _pad_rows(a, rows):
  return jnp.pad(a, ((0, rows - a.shape[0]), (0, 0)))


def kernel(pos, params):
  idx = _knn_idx(pos)
  idxg = (idx + (jnp.arange(B, dtype=idx.dtype) * N)[:, None, None])
  idxg = idxg.reshape(M).astype(jnp.int32)

  pos_flat = pos.reshape(BN, 3)
  pos_pad = _pad_cols(pos_flat, P3)
  posnb = _sc_gather(_pad_cols(pos_flat, PG), idxg, PG)

  pin = params["proj_in"]
  x = _linear_tc(pos_pad, _pad_rows(pin["w"], P3), pin["b"].reshape(1, C))

  for lp in params["layers"]:
    kv = _linear_tc(x, lp["fc_kv"]["w"], lp["fc_kv"]["b"].reshape(1, 2 * C))
    kvnb = _sc_gather(kv, idxg, 2 * C)
    wts = (
        lp["fc_q"]["w"], lp["fc_q"]["b"].reshape(1, C),
        _pad_rows(lp["pos_mlp1"]["w"], P3), lp["pos_mlp1"]["b"].reshape(1, C),
        lp["pos_mlp2"]["w"], lp["pos_mlp2"]["b"].reshape(1, C),
        lp["attn_mlp1"]["w"], lp["attn_mlp1"]["b"].reshape(1, C),
        lp["attn_mlp2"]["w"], lp["attn_mlp2"]["b"].reshape(1, C),
        lp["fc_out"]["w"], lp["fc_out"]["b"].reshape(1, C),
        lp["ffn1"]["w"], lp["ffn1"]["b"].reshape(1, 4 * C),
        lp["ln1_g"].reshape(1, 4 * C), lp["ln1_b"].reshape(1, 4 * C),
        lp["ffn2"]["w"], lp["ffn2"]["b"].reshape(1, C),
        lp["ln2_g"].reshape(1, C), lp["ln2_b"].reshape(1, C),
    )
    x = _layer_tc(x, pos_pad, kvnb, posnb, wts)

  pout = params["proj_out"]
  out = _linear_tc(x, pout["w"], pout["b"].reshape(1, OUT_C))
  return out.reshape(B, N, OUT_C)

# --- scband reference (transcript-rebuilt; emitter-appended) ---
"""Pipeline reference for scband-point-transformer-62878321214061 (READ-ONLY COPY).

The authoritative reference and input builder live on the scoring server;
editing this copy changes nothing except your own understanding.
"""

import jax, jax.numpy as jnp
import numpy as np

B, N, C, DEPTH, K, H = 2, 4096, 128, 2, 16, 2
OUT_C = 128


def _lin_params(key, fin, fout):
    bound = 0.02 * np.sqrt(6.0 / (fin + fout))
    w = jax.random.uniform(key, (fin, fout), jnp.float32, -bound, bound)
    return {"w": w, "b": jnp.zeros((fout,), jnp.float32)}


def setup_inputs(seed: int = 0):
    key = jax.random.key(seed)
    pos = jax.random.uniform(jax.random.fold_in(key, 0), (B, N, 3), dtype=jnp.float32)
    layers = []
    for i in range(DEPTH):
        ks = jax.random.split(jax.random.fold_in(key, 100 + i), 9)
        layers.append({
            "fc_q": _lin_params(ks[0], C, C),
            "fc_kv": _lin_params(ks[1], C, 2 * C),
            "pos_mlp1": _lin_params(ks[2], 3, C),
            "pos_mlp2": _lin_params(ks[3], C, C),
            "attn_mlp1": _lin_params(ks[4], C, C),
            "attn_mlp2": _lin_params(ks[5], C, C),
            "fc_out": _lin_params(ks[6], C, C),
            "ffn1": _lin_params(ks[7], C, 4 * C),
            "ln1_g": jnp.ones((4 * C,), jnp.float32),
            "ln1_b": jnp.zeros((4 * C,), jnp.float32),
            "ffn2": _lin_params(ks[8], 4 * C, C),
            "ln2_g": jnp.ones((C,), jnp.float32),
            "ln2_b": jnp.zeros((C,), jnp.float32),
        })
    params = {
        "proj_in": _lin_params(jax.random.fold_in(key, 1), 3, C),
        "proj_out": _lin_params(jax.random.fold_in(key, 2), C, OUT_C),
        "layers": layers,
    }
    return {"pos": pos, "params": params}


def _linear(x, p):
    return x @ p["w"] + p["b"]


def _layernorm(x, g, b):
    m = jnp.mean(x, axis=-1, keepdims=True)
    v = jnp.var(x, axis=-1, keepdims=True)
    return (x - m) / jnp.sqrt(v + 1e-5) * g + b


def _knn(pos, k):
    sq = jnp.sum(pos * pos, axis=-1)
    d2 = sq[:, :, None] - 2.0 * jnp.einsum('bnd,bmd->bnm', pos, pos) + sq[:, None, :]
    _, idx = jax.lax.top_k(-d2, k)
    return idx


def _index_points(points, idx):
    # points: [B, N, ...], idx: [B, N, K] -> [B, N, K, ...]
    return jax.vmap(lambda p, i: p[i])(points, idx)


def _attention(x, pos, p):
    b, n, c = x.shape
    hd = c // H
    q = _linear(x, p["fc_q"]).reshape(b, n, H, hd)
    kv = _linear(x, p["fc_kv"])
    k_, v = jnp.split(kv, 2, axis=-1)
    k_ = k_.reshape(b, n, H, hd)
    v = v.reshape(b, n, H, hd)
    idx = jax.lax.stop_gradient(_knn(pos, K))
    pos_nb = _index_points(pos, idx)
    k_nb = _index_points(k_, idx)
    v_nb = _index_points(v, idx)
    pos_diff = pos[:, :, None, :] - pos_nb
    pe = _linear(jax.nn.relu(_linear(pos_diff, p["pos_mlp1"])), p["pos_mlp2"])
    pe_h = pe.reshape(b, n, K, H, hd)
    rel = k_nb - q[:, :, None, :, :] + pe_h
    a = _linear(jax.nn.relu(_linear(rel.reshape(b, n, K, c), p["attn_mlp1"])), p["attn_mlp2"])
    a = jax.nn.softmax(a.reshape(b, n, K, H, hd), axis=2)
    agg = jnp.sum(a * (v_nb + pe_h), axis=2).reshape(b, n, c)
    return _linear(agg, p["fc_out"])


def _tf_layer(x, pos, p):
    x = x + _attention(x, pos, p)
    h = _linear(x, p["ffn1"])
    h = _layernorm(h, p["ln1_g"], p["ln1_b"])
    h = jax.nn.gelu(h, approximate=False)
    h = _linear(h, p["ffn2"])
    h = _layernorm(h, p["ln2_g"], p["ln2_b"])
    return x + h


def reference(pos, params):
    x = _linear(pos, params["proj_in"])
    for lp in params["layers"]:
        x = _tf_layer(x, pos, lp)
    return _linear(x, params["proj_out"])

if __name__ == "__main__":
    import jax
    _d = setup_inputs()
    print(jax.jit(kernel)(*tuple(_d.values())))

</pallas_src>

<mosaic_0001>
#map = affine_map<(d0, d1) -> (0, 0)>
#map1 = affine_map<(d0, d1) -> (0)>
module attributes {stable_mosaic.version = 14 : i64} {
  func.func @gather_k(%arg0: i32, %arg1: i32, %arg2: memref<8192x128xf32, #tpu.memory_space<hbm>>, %arg3: memref<131072xi32, #tpu.memory_space<hbm>>, %arg4: memref<131072x128xf32, #tpu.memory_space<hbm>>, %arg5: memref<128xi32, #tpu.memory_space<vmem>>, %arg6: memref<128x128xf32, #tpu.memory_space<vmem>>, %arg7: memref<128xi32, #tpu.memory_space<vmem>>, %arg8: memref<128x128xf32, #tpu.memory_space<vmem>>, %arg9: memref<!tpu.dma_semaphore, #tpu.memory_space<semaphore_mem>>, %arg10: memref<!tpu.dma_semaphore, #tpu.memory_space<semaphore_mem>>) attributes {dimension_semantics = [#tpu.dimension_semantics<core_parallel>, #tpu.dimension_semantics<subcore_parallel>], iteration_bounds = array<i64: 2, 16>, scalar_prefetch = 0 : i64, scratch_operands = 6 : i64, tpu.core_type = #tpu.core_type<sc_vector_subcore>, window_params = [{transform_indices = #map}, {transform_indices = #map1}, {transform_indices = #map}]} {
    %mul3A = arith.constant 2 : i32
    %mul3A_0 = arith.muli %arg1, %mul3A : i32
    %add3A = arith.addi %mul3A_0, %arg0 : i32
    %mul3A_1 = arith.constant 4096 : i32
    %mul3A_2 = arith.muli %add3A, %mul3A_1 : i32
    %scan3A = arith.constant 0 : i32
    %scan3A_3 = arith.constant 0 : i32
    %scan3A_4 = arith.constant 16 : i32
    %scan3A_5 = arith.addi %scan3A_3, %scan3A_4 : i32
    %scan3A_6 = arith.constant 1 : i32
    %scan3A_7 = scf.for %scan3A_9 = %scan3A_3 to %scan3A_5 step %scan3A_6 iter_args(%scan3A_10 = %scan3A) -> (i32)  : i32 {
      %mul3A_11 = arith.constant 2 : i32
      %mul3A_12 = arith.muli %mul3A_11, %scan3A_9 : i32
      %mul3A_13 = arith.constant 128 : i32
      %mul3A_14 = arith.muli %mul3A_12, %mul3A_13 : i32
      %add3A_15 = arith.addi %mul3A_2, %mul3A_14 : i32
      "tpu.region"() ({
        %run_scoped3A = tpu.sem_alloc : memref<!tpu.dma_semaphore, #tpu.memory_space<semaphore_mem>>
        %dma_start3A_34 = tpu.memref_slice %arg3[%add3A_15] : memref<131072xi32, #tpu.memory_space<hbm>> -> memref<128xi32, #tpu.memory_space<hbm>>
        %dma_start3A_35 = tpu.memref_slice %arg3[%add3A_15] : memref<131072xi32, #tpu.memory_space<hbm>> -> memref<128xi32, #tpu.memory_space<hbm>>
        tpu.enqueue_dma source(%dma_start3A_35 : memref<128xi32, #tpu.memory_space<hbm>>) target(%arg5 : memref<128xi32, #tpu.memory_space<vmem>>) target_semaphore(%run_scoped3A : memref<!tpu.dma_semaphore, #tpu.memory_space<semaphore_mem>>)
        %dma_wait3A_36 = tpu.memref_slice %arg3[%add3A_15] : memref<131072xi32, #tpu.memory_space<hbm>> -> memref<128xi32, #tpu.memory_space<hbm>>
        %dma_wait3A_37 = tpu.memref_slice %arg3[%add3A_15] : memref<131072xi32, #tpu.memory_space<hbm>> -> memref<128xi32, #tpu.memory_space<hbm>>
        tpu.wait_dma2 semaphore(%run_scoped3A : memref<!tpu.dma_semaphore, #tpu.memory_space<semaphore_mem>>) src(%dma_wait3A_37 : memref<128xi32, #tpu.memory_space<hbm>>) dst(%arg5 : memref<128xi32, #tpu.memory_space<vmem>>)
        tpu.yield
      }) : () -> ()
      %dma_start3A = arith.constant 0 : i32
      %dma_start3A_16 = arith.constant 0 : i32
      %dma_start3A_17 = tpu.memref_slice %arg2[%dma_start3A, %dma_start3A_16] : memref<8192x128xf32, #tpu.memory_space<hbm>> -> memref<8192x128xf32, #tpu.memory_space<hbm>>
      tpu.enqueue_indirect_dma source(%dma_start3A_17 : memref<8192x128xf32, #tpu.memory_space<hbm>>) target(%arg6 : memref<128x128xf32, #tpu.memory_space<vmem>>) offsets(%arg5 : memref<128xi32, #tpu.memory_space<vmem>>) semaphore(%arg9 : memref<!tpu.dma_semaphore, #tpu.memory_space<semaphore_mem>>)
      %dma_wait3A = arith.constant 0 : i32
      %dma_wait3A_18 = arith.constant 0 : i32
      %dma_wait3A_19 = tpu.memref_slice %arg2[%dma_wait3A, %dma_wait3A_18] : memref<8192x128xf32, #tpu.memory_space<hbm>> -> memref<8192x128xf32, #tpu.memory_space<hbm>>
      tpu.wait_indirect_dma semaphore(%arg9 : memref<!tpu.dma_semaphore, #tpu.memory_space<semaphore_mem>>) src(%dma_wait3A_19 : memref<8192x128xf32, #tpu.memory_space<hbm>>) dst(%arg6 : memref<128x128xf32, #tpu.memory_space<vmem>>)
      "tpu.region"() ({
        %run_scoped3A = tpu.sem_alloc : memref<!tpu.dma_semaphore, #tpu.memory_space<semaphore_mem>>
        %dma_start3A_34 = arith.constant 0 : i32
        %dma_start3A_35 = tpu.memref_slice %arg4[%add3A_15, %dma_start3A_34] : memref<131072x128xf32, #tpu.memory_space<hbm>> -> memref<128x128xf32, #tpu.memory_space<hbm>>
        %dma_start3A_36 = arith.constant 0 : i32
        %dma_start3A_37 = tpu.memref_slice %arg4[%add3A_15, %dma_start3A_36] : memref<131072x128xf32, #tpu.memory_space<hbm>> -> memref<128x128xf32, #tpu.memory_space<hbm>>
        tpu.enqueue_dma source(%arg6 : memref<128x128xf32, #tpu.memory_space<vmem>>) target(%dma_start3A_37 : memref<128x128xf32, #tpu.memory_space<hbm>>) target_semaphore(%run_scoped3A : memref<!tpu.dma_semaphore, #tpu.memory_space<semaphore_mem>>)
        %dma_wait3A_38 = arith.constant 0 : i32
        %dma_wait3A_39 = tpu.memref_slice %arg4[%add3A_15, %dma_wait3A_38] : memref<131072x128xf32, #tpu.memory_space<hbm>> -> memref<128x128xf32, #tpu.memory_space<hbm>>
        %dma_wait3A_40 = arith.constant 0 : i32
        %dma_wait3A_41 = tpu.memref_slice %arg4[%add3A_15, %dma_wait3A_40] : memref<131072x128xf32, #tpu.memory_space<hbm>> -> memref<128x128xf32, #tpu.memory_space<hbm>>
        tpu.wait_dma2 semaphore(%run_scoped3A : memref<!tpu.dma_semaphore, #tpu.memory_space<semaphore_mem>>) src(%arg6 : memref<128x128xf32, #tpu.memory_space<vmem>>) dst(%dma_wait3A_41 : memref<128x128xf32, #tpu.memory_space<hbm>>)
        tpu.yield
      }) : () -> ()
      %mul3A_20 = arith.constant 2 : i32
      %mul3A_21 = arith.muli %mul3A_20, %scan3A_9 : i32
      %add3A_22 = arith.constant 1 : i32
      %add3A_23 = arith.addi %mul3A_21, %add3A_22 : i32
      %mul3A_24 = arith.constant 128 : i32
      %mul3A_25 = arith.muli %add3A_23, %mul3A_24 : i32
      %add3A_26 = arith.addi %mul3A_2, %mul3A_25 : i32
      "tpu.region"() ({
        %run_scoped3A = tpu.sem_alloc : memref<!tpu.dma_semaphore, #tpu.memory_space<semaphore_mem>>
        %dma_start3A_34 = tpu.memref_slice %arg3[%add3A_26] : memref<131072xi32, #tpu.memory_space<hbm>> -> memref<128xi32, #tpu.memory_space<hbm>>
        %dma_start3A_35 = tpu.memref_slice %arg3[%add3A_26] : memref<131072xi32, #tpu.memory_space<hbm>> -> memref<128xi32, #tpu.memory_space<hbm>>
        tpu.enqueue_dma source(%dma_start3A_35 : memref<128xi32, #tpu.memory_space<hbm>>) target(%arg7 : memref<128xi32, #tpu.memory_space<vmem>>) target_semaphore(%run_scoped3A : memref<!tpu.dma_semaphore, #tpu.memory_space<semaphore_mem>>)
        %dma_wait3A_36 = tpu.memref_slice %arg3[%add3A_26] : memref<131072xi32, #tpu.memory_space<hbm>> -> memref<128xi32, #tpu.memory_space<hbm>>
        %dma_wait3A_37 = tpu.memref_slice %arg3[%add3A_26] : memref<131072xi32, #tpu.memory_space<hbm>> -> memref<128xi32, #tpu.memory_space<hbm>>
        tpu.wait_dma2 semaphore(%run_scoped3A : memref<!tpu.dma_semaphore, #tpu.memory_space<semaphore_mem>>) src(%dma_wait3A_37 : memref<128xi32, #tpu.memory_space<hbm>>) dst(%arg7 : memref<128xi32, #tpu.memory_space<vmem>>)
        tpu.yield
      }) : () -> ()
      %dma_start3A_27 = arith.constant 0 : i32
      %dma_start3A_28 = arith.constant 0 : i32
      %dma_start3A_29 = tpu.memref_slice %arg2[%dma_start3A_27, %dma_start3A_28] : memref<8192x128xf32, #tpu.memory_space<hbm>> -> memref<8192x128xf32, #tpu.memory_space<hbm>>
      tpu.enqueue_indirect_dma source(%dma_start3A_29 : memref<8192x128xf32, #tpu.memory_space<hbm>>) target(%arg8 : memref<128x128xf32, #tpu.memory_space<vmem>>) offsets(%arg7 : memref<128xi32, #tpu.memory_space<vmem>>) semaphore(%arg10 : memref<!tpu.dma_semaphore, #tpu.memory_space<semaphore_mem>>)
      %dma_wait3A_30 = arith.constant 0 : i32
      %dma_wait3A_31 = arith.constant 0 : i32
      %dma_wait3A_32 = tpu.memref_slice %arg2[%dma_wait3A_30, %dma_wait3A_31] : memref<8192x128xf32, #tpu.memory_space<hbm>> -> memref<8192x128xf32, #tpu.memory_space<hbm>>
      tpu.wait_indirect_dma semaphore(%arg10 : memref<!tpu.dma_semaphore, #tpu.memory_space<semaphore_mem>>) src(%dma_wait3A_32 : memref<8192x128xf32, #tpu.memory_space<hbm>>) dst(%arg8 : memref<128x128xf32, #tpu.memory_space<vmem>>)
      "tpu.region"() ({
        %run_scoped3A = tpu.sem_alloc : memref<!tpu.dma_semaphore, #tpu.memory_space<semaphore_mem>>
        %dma_start3A_34 = arith.constant 0 : i32
        %dma_start3A_35 = tpu.memref_slice %arg4[%add3A_26, %dma_start3A_34] : memref<131072x128xf32, #tpu.memory_space<hbm>> -> memref<128x128xf32, #tpu.memory_space<hbm>>
        %dma_start3A_36 = arith.constant 0 : i32
        %dma_start3A_37 = tpu.memref_slice %arg4[%add3A_26, %dma_start3A_36] : memref<131072x128xf32, #tpu.memory_space<hbm>> -> memref<128x128xf32, #tpu.memory_space<hbm>>
        tpu.enqueue_dma source(%arg8 : memref<128x128xf32, #tpu.memory_space<vmem>>) target(%dma_start3A_37 : memref<128x128xf32, #tpu.memory_space<hbm>>) target_semaphore(%run_scoped3A : memref<!tpu.dma_semaphore, #tpu.memory_space<semaphore_mem>>)
        %dma_wait3A_38 = arith.constant 0 : i32
        %dma_wait3A_39 = tpu.memref_slice %arg4[%add3A_26, %dma_wait3A_38] : memref<131072x128xf32, #tpu.memory_space<hbm>> -> memref<128x128xf32, #tpu.memory_space<hbm>>
        %dma_wait3A_40 = arith.constant 0 : i32
        %dma_wait3A_41 = tpu.memref_slice %arg4[%add3A_26, %dma_wait3A_40] : memref<131072x128xf32, #tpu.memory_space<hbm>> -> memref<128x128xf32, #tpu.memory_space<hbm>>
        tpu.wait_dma2 semaphore(%run_scoped3A : memref<!tpu.dma_semaphore, #tpu.memory_space<semaphore_mem>>) src(%arg8 : memref<128x128xf32, #tpu.memory_space<vmem>>) dst(%dma_wait3A_41 : memref<128x128xf32, #tpu.memory_space<hbm>>)
        tpu.yield
      }) : () -> ()
      %scan3A_33 = arith.constant 0 : i32
      scf.yield %scan3A_33 : i32
    }
    %scan3A_8 = arith.constant 16 : i32
    return
  }
}

</mosaic_0001>

<sc_bundles>
// kernel: _sc_gather.3.cloned.1.call-start
scs
__scs_entry_jumppad:
0x0: {  	(pc) =	sbr.rel $0x88, $3  }
0x1: {  	(tag) =	ssettag $0x0;
	lr =	simm.s32 $0x1  }
0x2: {  	[smem:$0x3F9F] =	sst lr;
	_ =	strace $0xD0000000  }
0x3: {  	_ = 	snop  }
0x4: {  	_ = 	snop  }
0x5: {  	_ = 	snop  }
0x6: {  	_ = 	snop  }
0x7: {  	_ = 	snop  }
__scs_overlays_trampoline_lowered:
0x8: {  	[smem:$0x3FAE] =	sst s0  }
0x9: {  	[smem:$0x3FAF] =	sst s1  }
0xa: {  	[smem:$0x3FB0] =	sst s2  }
0xb: {  	[smem:$0x3FB1] =	sst s3  }
0xc: {  	[smem:$0x3FB2] =	sst s4  }
0xd: {  	[smem:$0x3FB3] =	sst s5  }
0xe: {  	[smem:$0x3FB4] =	sst s6  }
0xf: {  	[smem:$0x3FB5] =	sst s7  }
0x10: {  	[smem:$0x3FB6] =	sst s8  }
0x11: {  	[smem:$0x3FB7] =	sst s9;
	s0 =	simm.s32 @!p0 $0x0  }
0x12: {  	s1 =	sld [smem:$0x3F9D];
	s0 =	simm.s32 @p0 $0x1  }
0x13: {  	[smem:$0x3FB8] =	sst s0;
	s0 =	simm.s32 @!p1 $0x0  }
0x14: {  	s2 =	sld [smem:$0x3F9C];
	s0 =	simm.s32 @p1 $0x1  }
0x15: {  	[smem:$0x3FB9] =	sst s0;
	s0 =	simm.s32 @!p2 $0x0  }
0x16: {  	s3 =	sld [smem:$0x3FDB];
	s0 =	simm.s32 @p2 $0x1  }
0x17: {  	s4 =	simm.s32 $0x1BF5;
	[smem:$0x3FBB] =	sst s0  }
0x18: {  	s0 =	sld [smem:$0x3F9E];
	_ =	swait.ge [sflag:s4], $0x0  }
0x19: {  	s7 =	sld [smem:$0x3F9F]  }
0x1a: {  	s8 =	sadd.s32 $0xFFFFE003, lr  }
0x1b: {  	s9 =	sadd.s32 $0xFFFFFEF7, lr;
	s5 =	simm.s32 $0xFFFFFFFF;
	p2 =	slt.u32 s8, $0xFFFFF086  }
0x1c: {  	p1 =	slt.u32 s9, $0xF7A;
	s5 =	simm.s32 @!p2 $0x0  }
0x1d: {  	s5 =	simm.s32 @p1 $0x1;
	p0 =	seq.s32 s7, s2  }
0x1e: {  	s7 =	smul.u32 @!p0 $0xF7A, s2;
	p2 =	seq.s32 @!p0 s5, $0x0  }
0x1f: {  	s9 =	smul.u32 $0xF7A, s1;
	s8 =	simm.s32 @!p0 $0x1BF5;
	p2 =	por !p2, p0  }
0x20: {  	[sflag:s8] =	ssyncset.s32 @!p0 $0xFFFFF086;
	s6 =	sadd.s32 @!p0 s3, s7;
	s7 =	simm.s32 @!p0 $0x108  }
0x21: {  	s3 =	sadd.s32 s3, s9;
	s6 =	sadd.s32 @!p0 $0x88, s6;
	s7 =	simm.s32 @p2 $0x1082  }
0x22: {  	[simem:s7], [sflag:s8] =	dma.local @!p0 [hbm:s6], $0xF7A  }
0x23: {  	s9 =	sor.u32 $0xD0000000, s2;
	s6 =	simm.s32 $0x108;
	_ =	swait.ge @!p0 [sflag:s8], $0x0  }
0x24: {  	s3 =	sadd.s32 $0x88, s3;
	s6 =	simm.s32 @!p1 $0x1082;
	[sflag:s4] =	ssyncset.s32 $0xFFFFF086  }
0x25: {  	[simem:s6], [sflag:s4] =	dma.local [hbm:s3], $0xF7A  }
0x26: {  	[smem:$0x3F9F] =	sst s1;
	(tag) =	ssettag s2;
	_ =	strace s9  }
0x27: {  	s1 =	sld [smem:$0x3FAF]  }
0x28: {  	s2 =	sld [smem:$0x3FB0]  }
0x29: {  	s4 =	sld [smem:$0x3FB2]  }
0x2a: {  	p0 =	seq.s32 s5, $0x0;
	s5 =	sld [smem:$0x3FB3]  }
0x2b: {  	s6 =	sld [smem:$0x3FB4]  }
0x2c: {  	s7 =	sld [smem:$0x3FB5]  }
0x2d: {  	s3 =	simm.s32 $0x108;
	s8 =	sld [smem:$0x3FB6]  }
0x2e: {  	s3 =	simm.s32 @!p0 $0x1082;
	s9 =	sld [smem:$0x3FB7]  }
0x2f: {  	lr =	sadd.s32 s0, s3;
	s0 =	sld [smem:$0x3FAE]  }
0x30: {  	s3 =	sld [smem:$0x3FB1]  }
0x31: {  	[smem:$0x3FBA] =	sst s10  }
0x32: {  	s10 =	sld [smem:$0x3FB8];
	_ =	sdelay $0x3  }
0x33: {  	p0 =	seq.s32 s10, $0x1;
	s10 =	sld [smem:$0x3FBA];
	_ =	sdelay $0x3  }
0x34: {  	[smem:$0x3FBA] =	sst s10  }
0x35: {  	s10 =	sld [smem:$0x3FB9];
	_ =	sdelay $0x3  }
0x36: {  	p1 =	seq.s32 s10, $0x1;
	s10 =	sld [smem:$0x3FBA];
	_ =	sdelay $0x3  }
0x37: {  	[smem:$0x3FBA] =	sst s10  }
0x38: {  	s10 =	sld [smem:$0x3FBB]  }
0x39: {  	_ = 	snop;
	(pc) =	sbr.ind lr, $3  }
0x3a: {  	_ = 	snop  }
0x3b: {  	_ = 	snop  }
0x3c: {  	p2 =	seq.s32 s10, $0x1;
	s10 =	sld [smem:$0x3FBA]  }
0x3d: {  	_ =	shalt  }
0x3e: {  	_ =	shalt  }
0x3f: {  	_ =	shalt  }
0x40: {  	_ =	shalt  }
0x41: {  	_ =	shalt  }
0x42: {  	_ =	shalt  }
0x43: {  	_ =	shalt  }
0x44: {  	_ =	shalt  }
0x45: {  	_ =	shalt  }
0x46: {  	_ =	shalt  }
0x47: {  	_ =	shalt  }
0x48: {  	_ =	shalt  }
0x49: {  	_ =	shalt  }
0x4a: {  	_ =	shalt  }
0x4b: {  	_ =	shalt  }
0x4c: {  	_ =	shalt  }
0x4d: {  	_ =	shalt  }
0x4e: {  	_ =	shalt  }
0x4f: {  	_ =	shalt  }
0x50: {  	_ =	shalt  }
0x51: {  	_ =	shalt  }
0x52: {  	_ =	shalt  }
0x53: {  	_ =	shalt  }
0x54: {  	_ =	shalt  }
0x55: {  	_ =	shalt  }
0x56: {  	_ =	shalt  }
0x57: {  	_ =	shalt  }
0x58: {  	_ =	shalt  }
0x59: {  	_ =	shalt  }
0x5a: {  	_ =	shalt  }
0x5b: {  	_ =	shalt  }
0x5c: {  	_ =	shalt  }
0x5d: {  	_ =	shalt  }
0x5e: {  	_ =	shalt  }
0x5f: {  	_ =	shalt  }
0x60: {  	_ =	shalt  }
0x61: {  	_ =	shalt  }
0x62: {  	_ =	shalt  }
0x63: {  	_ =	shalt  }
0x64: {  	_ =	shalt  }
0x65: {  	_ =	shalt  }
0x66: {  	_ =	shalt  }
0x67: {  	_ =	shalt  }
0x68: {  	_ =	shalt  }
0x69: {  	_ =	shalt  }
0x6a: {  	_ =	shalt  }
0x6b: {  	_ =	shalt  }
0x6c: {  	_ =	shalt  }
0x6d: {  	_ =	shalt  }
0x6e: {  	_ =	shalt  }
0x6f: {  	_ =	shalt  }
0x70: {  	_ =	shalt  }
0x71: {  	_ =	shalt  }
0x72: {  	_ =	shalt  }
0x73: {  	_ =	shalt  }
0x74: {  	_ =	shalt  }
0x75: {  	_ =	shalt  }
0x76: {  	_ =	shalt  }
0x77: {  	_ =	shalt  }
0x78: {  	_ =	shalt  }
0x79: {  	_ =	shalt  }
0x7a: {  	_ =	shalt  }
0x7b: {  	_ =	shalt  }
0x7c: {  	_ =	shalt  }
0x7d: {  	_ =	shalt  }
0x7e: {  	_ =	shalt  }
0x7f: {  	_ =	shalt  }
0x80: {  	_ =	shalt  }
0x81: {  	_ =	shalt  }
0x82: {  	_ =	shalt  }
0x83: {  	_ =	shalt  }
0x84: {  	_ =	shalt  }
0x85: {  	_ =	shalt  }
0x86: {  	_ =	shalt  }
0x87: {  	_ =	shalt  }
.Lfunc_end0:
.L_simem_size_0:
called_computation_lowered:
.L_overlay_start_0:
0x88: {  	s2 =	sld [smem:$0x3FD9]  }
0x89: {  	s3 =	sld [smem:$0x3FFE];
	_ =	sdelay $0x1  }
0x8a: {  	s1 =	srdreg.scid  }
0x8b: {  	s0 =	sand.u32 $0x1, s1  }
0x8c: {  	s18 =	sshll.u32 s0, $0xA;
	s2 =	sadd.s32 s3, s2  }
0x8d: {  	s2 =	sadd.s32 s2, s18  }
0x8e: {  	[smem:$0x3FC6] =	sst s2  }
0x8f: {  	_ = 	snop  }
0x90: {  	s2 =	sld [smem:$0x3FC9]  }
0x91: {  	s19 =	sld [smem:$0x3FC8]  }
0x92: {  	s4 =	sld [smem:$0x3FD0];
	(tm) =	ssettm $0x1  }
0x93: {  	s5 =	sld [smem:$0x3FFB];
	_ =	sdelay $0x3  }
0x94: {  	_ =	strace s5  }
0x95: {  	s5 =	sld [smem:$0x3FFC];
	_ =	sdelay $0x3  }
0x96: {  	_ =	strace s5  }
0x97: {  	s5 =	sld [smem:$0x3FFD];
	_ =	sdelay $0x3  }
0x98: {  	_ =	strace s5  }
0x99: {  	_ =	strace $0x8FFFFFFF  }
0x9a: {  	s20 =	sld [smem:$0x3FDB];
	_ =	sdelay $0x1  }
0x9b: {  	s6 =	simm.s32 $_scs_section_size  }
0x9c: {  	s7 =	simm.s32 $_size__tile_overlayer_lowered;
	s8 =	simm.s32 $_tile_overlayer_lowered  }
0x9d: {  	s23 =	simm.s32 $0x1BFF;
	s22 =	sshll.u32 s8, $0x1;
	s5 =	sadd.s32 s6, s20  }
0x9e: {  	s9 =	simm.s32 $0x0;
	s21 =	sshll.u32 s7, $0x1;
	s7 =	sadd.s32 s22, s5  }
0x9f: {  	[timem:s9], [sflag:s23] =	dma.local [hbm:s7], s21  }
0xa0: {  	_ =	swait.ge [sflag:s23], s21  }
0xa1: {  	s6 =	ssub.s32 $0x0, s21;
	[sflag:s23] =	ssyncset.done $0x0  }
0xa2: {  	[sflag:s23] =	ssyncadd.s32 s6;
	_ =	sdelay $0x1  }
0xa3: {  	s24 =	simm.s32 $0x1B8B  }
0xa4: {  	_ =	swait.ge [sflag:s24], $0x1  }
0xa5: {  	[sflag:s24] =	ssyncset.done $0x0  }
0xa6: {  	s25 =	simm.s32 $0x1B8E;
	[sflag:s24] =	ssyncadd.s32 $0xFFFFFFFF  }
0xa7: {  	s26 =	simm.s32 $execute0_lowered;
	[smem:$0x3FD2] =	sst s25  }
0xa8: {  	s6 =	sshll.u32 s26, $0x1;
	_ =	strace $0x80000046;
	[dreg:$0x1] =	wrdreg $0xFFFFFFFF  }
0xa9: {  	s28 =	simm.s32 $_size_execute0_lowered;
	s5 =	sadd.s32 s5, s6;
	[dreg:$0x0] =	wrdreg $0x0  }
0xaa: {  	s6 =	sshll.u32 s28, $0x1;
	[dreg:$0x2] =	wrdreg s5  }
0xab: {  	[dreg:$0x3] =	wrdreg s6  }
0xac: {  	[dreg:$0x4] =	wrdreg $0xC0  }
0xad: {  	_ =	task [dreg:s9], $0x5FFFF  }
0xae: {  	[dreg:$0x1] =	wrdreg $0xFFFFFFFF  }
0xaf: {  	[dreg:$0x0] =	wrdreg $0x60  }
0xb0: {  	[dreg:$0x2] =	wrdreg s2  }
0xb1: {  	[dreg:$0x3] =	wrdreg s19  }
0xb2: {  	[dreg:$0x4] =	wrdreg s4  }
0xb3: {  	[dreg:$0x5] =	wrdreg $0x9  }
0xb4: {  	_ =	task.clear_ibuf [dreg:s9], $0x6FFFF;
	_ =	strace $0x90000046  }
0xb5: {  	s29 =	simm.s32 $0x9;
	_ =	strace $0x80000048  }
0xb6: {  	_ =	swait.ge [sflag:s29], $0x1  }
0xb7: {  	[sflag:s29] =	ssyncadd.s32 $0xFFFFFFFF  }
0xb8: {  	_ =	strace $0x90000048  }
0xb9: {  	_ =	sfence  }
0xba: {  	s30 =	sld [smem:$0x0];
	_ =	sdelay $0x2  }
0xbb: {  	s31 =	sshll.u32 s1, $0xD;
	s1 =	sshrl.u32 s1, $0x2  }
0xbc: {  	s3 =	sand.u32 $0x4000, s31;
	s1 =	sadd.s32 s1, s30  }
0xbd: {  	s0 =	sor.u32 s3, s0;
	s1 =	sshll.u32 s1, $0x11  }
0xbe: {  	s0 =	sor.u32 s1, s0  }
0xbf: {  	s0 =	sadd.s32 $0x8F2B, s0  }
0xc0: {  	[sflag:s0] =	ssyncadd.remote.s32 $0x1  }
0xc1: {  	_ =	sfence.sel $0xFFFF  }
0xc2: {  	[dreg:$0x0] =	wrdreg $0xFFFFFFFF;
	(pc) =	sbr.abs _section_cstart, $3  }
0xc3: {  	[dreg:$0x1] =	wrdreg $0xFFFFFFFF  }
0xc4: {  	_ =	task.clear_ibuf [dreg:s9], $0x2FFFF;
	_ =	strace $0x9FFFFFFF  }
0xc5: {  	(tm) =	ssettm $0x7FFFFFFF  }
tec
execute0_lowered:
.L_overlay_start_1:
0x0: {  	(tag) =	ssettag $0x1  }
0x1: {  	s1 =	rddreg [dreg:$0x0]  }
0x2: {  	s7 =	rddreg [dreg:$0x1]  }
0x3: {  	s0 =	srdreg.scid;
	s4 =	rddreg [dreg:$0x2]  }
0x4: {  	s2 =	simm.s32 $0x0;
	s3 =	stileid.u32;
	s11 =	simm.s32 $0x4080  }
0x5: {  	s12 =	simm.s32 $0x4100;
	s5 =	sand.u32 $0x1, s0;
	s0 =	rddreg [dreg:$0x3]  }
0x6: {  	s13 =	simm.s32 $0x2;
	s14 =	simm.s32 $0x0;
	[smem:$0x7FF] =	sst s2  }
0x7: {  	s30 =	sshll.u32 s3, $0xD;
	s10 =	sshll.u32 s3, $0x11;
	s6 =	ssub.s32 $0x2, s5  }
0x8: {  	s9 =	sshll.u32 s5, $0xC;
	s10 =	sadd.s32 s10, s4;
	s5 =	sshll.u32 s5, $0x10  }
0x9: {  	_ =	strace $0x80000047;
	s8 =	sshrl.u32 s6, $0x1;
	s5 =	sadd.s32 s5, s10  }
0xa: {  	s10 =	simm.s32 $0x1;
	s6 =	ssub.s32 s6, s8;
	s8 =	sor.u32 s9, s30  }
0xb: {  	s5 =	sadd.s32 $0x800, s5;
	s9 =	simm.s32 $0x80;
	s31 =	sor.u32 $0x80, s8  }
0xc: {  	s4 =	smax.u32 s6, $0x1;
	s8 =	sshrl.u32 s8, $0x3;
	s6 =	sshrl.u32 s31, $0x3  }
0xd: {  	s6 =	sadd.s32 s6, s7;
	s7 =	sadd.s32 s8, s7;
	s8 =	simm.s32 $0x3  }
.LBB2_1:
0xe: {  	s15 =	sadd.s32 $0x0, s7  }
0xf: {  	[tilespmem:s2], [sflag:$0x3] =	stream.linear.gather [hbm4b:s15+s2], $0x80, $0x38;
	[tilespmem:$0x8100] =	vst v63  }
0x10: {  	_ =	swait.ge [sflag:s8], $0x80  }
0x11: {  	[sflag:s8] =	ssyncset.done $0x0  }
0x12: {  	[sflag:s8] =	ssyncadd.s32 $0xFFFFFF80  }
0x13: {  	[tilespmem:s9], [sflag:$0x1] =	stream.indirect.gather [hbm4b:s1+s9], $0x80, s2, s9, $0xb8;
	[tilespmem:$0x8100] =	vst v63  }
0x14: {  	_ =	swait.ge [sflag:s10], $0x4000  }
0x15: {  	[sflag:s10] =	ssyncset.done $0x0  }
0x16: {  	s30 =	sadd.s32 $0xFFFFF800, s5;
	[sflag:s10] =	ssyncadd.s32 $0xFFFFC000  }
0x17: {  	[hbm4b:s30+s2] =	stream.linear.scatter [tilespmem:s9], [sflag:$0x3], $0x4000, $0x38;
	[tilespmem:$0x8100] =	vst v63  }
0x18: {  	_ =	swait.ge [sflag:s8], $0x4000  }
0x19: {  	[sflag:s8] =	ssyncset.done $0x0  }
0x1a: {  	s31 =	sadd.s32 $0x0, s6;
	[sflag:s8] =	ssyncadd.s32 $0xFFFFC000  }
0x1b: {  	[tilespmem:s11], [sflag:$0x3] =	stream.linear.gather [hbm4b:s31+s2], $0x80, $0x38;
	[tilespmem:$0x8100] =	vst v63  }
0x1c: {  	_ =	swait.ge [sflag:s8], $0x80  }
0x1d: {  	[sflag:s8] =	ssyncset.done $0x0  }
0x1e: {  	[sflag:s8] =	ssyncadd.s32 $0xFFFFFF80  }
0x1f: {  	[tilespmem:s12], [sflag:$0x2] =	stream.indirect.gather [hbm4b:s1+s9], $0x80, s11, s9, $0xb8;
	[tilespmem:$0x8100] =	vst v63  }
0x20: {  	_ =	swait.ge [sflag:s13], $0x4000  }
0x21: {  	[sflag:s13] =	ssyncset.done $0x0  }
0x22: {  	[sflag:s13] =	ssyncadd.s32 $0xFFFFC000  }
0x23: {  	[hbm4b:s5+s2] =	stream.linear.scatter [tilespmem:s12], [sflag:$0x3], $0x4000, $0x38;
	[tilespmem:$0x8100] =	vst v63  }
0x24: {  	s16 =	simm.s32 $0x20;
	_ =	swait.ge [sflag:s8], $0x4000  }
0x25: {  	s17 =	simm.s32 $0x40;
	s15 =	sadd.s32 $0x1000, s5;
	[sflag:s8] =	ssyncset.done $0x0  }
.LBB2_2:
0x26: {  	s18 =	sadd.s32 s16, s7  }
0x27: {  	[sflag:s8] =	ssyncadd.s32 $0xFFFFC000;
	s19 =	smov.u32 s17;
	s20 =	sadd.s32 $0x20, s17  }
0x28: {  	[tilespmem:s2], [sflag:$0x3] =	stream.linear.gather [hbm4b:s18+s2], $0x80, $0x38;
	[tilespmem:$0x8100] =	vst v63  }
0x29: {  	p0 =	sne.s32 s17, $0x1E0;
	_ =	swait.ge [sflag:s8], $0x80  }
0x2a: {  	[sflag:s8] =	ssyncset.done $0x0  }
0x2b: {  	[sflag:s8] =	ssyncadd.s32 $0xFFFFFF80  }
0x2c: {  	[tilespmem:s9], [sflag:$0x1] =	stream.indirect.gather [hbm4b:s1+s9], $0x80, s2, s9, $0xb8;
	[tilespmem:$0x8100] =	vst v63  }
0x2d: {  	_ =	swait.ge [sflag:s10], $0x4000  }
0x2e: {  	[sflag:s10] =	ssyncset.done $0x0  }
0x2f: {  	s17 =	sadd.s32 $0xFFFFF800, s15;
	[sflag:s10] =	ssyncadd.s32 $0xFFFFC000  }
0x30: {  	[hbm4b:s17+s2] =	stream.linear.scatter [tilespmem:s9], [sflag:$0x3], $0x4000, $0x38;
	[tilespmem:$0x8100] =	vst v63  }
0x31: {  	_ =	swait.ge [sflag:s8], $0x4000  }
0x32: {  	[sflag:s8] =	ssyncset.done $0x0  }
0x33: {  	s17 =	sadd.s32 s16, s6;
	s16 =	smov.u32 s19;
	[sflag:s8] =	ssyncadd.s32 $0xFFFFC000  }
0x34: {  	[tilespmem:s11], [sflag:$0x3] =	stream.linear.gather [hbm4b:s17+s2], $0x80, $0x38;
	[tilespmem:$0x8100] =	vst v63  }
0x35: {  	_ =	swait.ge [sflag:s8], $0x80  }
0x36: {  	[sflag:s8] =	ssyncset.done $0x0  }
0x37: {  	[sflag:s8] =	ssyncadd.s32 $0xFFFFFF80  }
0x38: {  	[tilespmem:s12], [sflag:$0x2] =	stream.indirect.gather [hbm4b:s1+s9], $0x80, s11, s9, $0xb8;
	[tilespmem:$0x8100] =	vst v63  }
0x39: {  	_ =	swait.ge [sflag:s13], $0x4000  }
.Ltmp0:
0x3a: {  	[sflag:s13] =	ssyncset.done $0x0;
	(pc) =	sbr.rel @p0 .LBB2_2-.Ltmp0, $4  }
0x3b: {  	[sflag:s13] =	ssyncadd.s32 $0xFFFFC000  }
0x3c: {  	[hbm4b:s15+s2] =	stream.linear.scatter [tilespmem:s12], [sflag:$0x3], $0x4000, $0x38;
	[tilespmem:$0x8100] =	vst v63  }
0x3d: {  	_ =	swait.ge [sflag:s8], $0x4000  }
0x3e: {  	s17 =	smov.u32 s20;
	s15 =	sadd.s32 $0x1000, s15;
	[sflag:s8] =	ssyncset.done $0x0  }
0x3f: {  	s17 =	sadd.s32 s16, s7;
	[sflag:s8] =	ssyncadd.s32 $0xFFFFC000  }
0x40: {  	[tilespmem:s2], [sflag:$0x3] =	stream.linear.gather [hbm4b:s17+s2], $0x80, $0x38;
	[tilespmem:$0x8100] =	vst v63  }
0x41: {  	_ =	swait.ge [sflag:s8], $0x80  }
0x42: {  	[sflag:s8] =	ssyncset.done $0x0  }
0x43: {  	[sflag:s8] =	ssyncadd.s32 $0xFFFFFF80  }
0x44: {  	[tilespmem:s9], [sflag:$0x1] =	stream.indirect.gather [hbm4b:s1+s9], $0x80, s2, s9, $0xb8;
	[tilespmem:$0x8100] =	vst v63  }
0x45: {  	_ =	swait.ge [sflag:s10], $0x4000  }
0x46: {  	[sflag:s10] =	ssyncset.done $0x0  }
0x47: {  	s30 =	sadd.s32 $0xFFFFF800, s15;
	[sflag:s10] =	ssyncadd.s32 $0xFFFFC000  }
0x48: {  	[hbm4b:s30+s2] =	stream.linear.scatter [tilespmem:s9], [sflag:$0x3], $0x4000, $0x38;
	[tilespmem:$0x8100] =	vst v63  }
0x49: {  	_ =	swait.ge [sflag:s8], $0x4000  }
0x4a: {  	[sflag:s8] =	ssyncset.done $0x0  }
0x4b: {  	s31 =	sadd.s32 s16, s6;
	[sflag:s8] =	ssyncadd.s32 $0xFFFFC000  }
0x4c: {  	[tilespmem:s11], [sflag:$0x3] =	stream.linear.gather [hbm4b:s31+s2], $0x80, $0x38;
	[tilespmem:$0x8100] =	vst v63  }
0x4d: {  	_ =	swait.ge [sflag:s8], $0x80  }
0x4e: {  	[sflag:s8] =	ssyncset.done $0x0  }
0x4f: {  	[sflag:s8] =	ssyncadd.s32 $0xFFFFFF80  }
0x50: {  	[tilespmem:s12], [sflag:$0x2] =	stream.indirect.gather [hbm4b:s1+s9], $0x80, s11, s9, $0xb8;
	[tilespmem:$0x8100] =	vst v63  }
0x51: {  	s14 =	sadd.s32 $0x1, s14;
	_ =	swait.ge [sflag:s13], $0x4000  }
0x52: {  	p0 =	sne.s32 s14, s4;
	[sflag:s13] =	ssyncset.done $0x0  }
.Ltmp1:
0x53: {  	[sflag:s13] =	ssyncadd.s32 $0xFFFFC000;
	(pc) =	sbr.rel @p0 .LBB2_1-.Ltmp1, $4  }
0x54: {  	[hbm4b:s15+s2] =	stream.linear.scatter [tilespmem:s12], [sflag:$0x3], $0x4000, $0x38;
	[tilespmem:$0x8100] =	vst v63  }
0x55: {  	_ =	swait.ge [sflag:s8], $0x4000  }
0x56: {  	[sflag:s8] =	ssyncset.done $0x0  }
0x57: {  	[sflag:s8] =	ssyncadd.s32 $0xFFFFC000  }
0x58: {  	_ =	sfence.sel $0x180000  }
0x59: {  	[bflag:$0x0] =	sbarrier.arrive $0xFFFF  }
0x5a: {  	p0 =	sne.s32 s3, $0x0;
	_ =	strace $0x90000047  }
0x5b: {  	s0 =	sadd.s32 @!p0 $0x100000, s0;
	[bflag:$0x2] =	sbarrier.arrive $0xFFFF  }
0x5c: {  	[sflag:s0] =	ssyncadd.tile.s32 @!p0 $0x1;
	_ =	shalt  }
.Lfunc_end2:
_tile_overlayer_lowered:
.L_overlay_start_2:
0x5d: {  	(tag) =	ssettag $0x2  }
0x5e: {  	s0 =	rddreg [dreg:$0x0];
	s2 =	stileid.u32  }
0x5f: {  	s1 =	rddreg [dreg:$0x1];
	p0 =	sne.s32 s2, $0x0  }
0x60: {  	s3 =	rddreg [dreg:$0x2];
	[bflag:$0x3] =	sbarrier.arrive $0xFFFF;
	s2 =	simm.s32 @!p0 $0x1C03  }
0x61: {  	[timem:s3], [sflag:s2] =	dma.local @!p0 [hbm:s0], s1  }
0x62: {  	s0 =	simm.s32 @!p0 $0x3  }
0x63: {  	_ =	swait.ge @!p0 [sflag:s0], s1  }
0x64: {  	s1 =	ssub.s32 @!p0 $0x0, s1;
	[sflag:s0] =	ssyncset.done @!p0 $0x0  }
0x65: {  	[sflag:s0] =	ssyncadd.s32 @!p0 s1  }
0x66: {  	[bflag:$0x3] =	sbarrier.arrive $0xFFFF  }
0x67: {  	_ =	shalt  }

</sc_bundles>
